<compile_context>
chip_gen: v7x
topology: tpu7x:2x2x1
jax: 0.10.2.dev20260603
libtpu: 0.0.44.dev20260713+nightly
codegen_flags: <defaults>
</compile_context>

<pallas_src>
import functools

import jax
import jax.numpy as jnp
from jax import lax
from jax.experimental import pallas as pl
from jax.experimental.pallas import tpu as pltpu
from jax.experimental.pallas import tpu_sc as plsc

BATCH = 4096
NUM_FIELDS = 26
NUM_FEATURES = 100000

NC = 2
NS = 16
L = 16
NW = NC * NS
CHUNK = BATCH // NW
GROUPS = CHUNK // L


@functools.partial(
    pl.kernel,
    out_type=jax.ShapeDtypeStruct((BATCH,), jnp.float32),
    mesh=plsc.VectorSubcoreMesh(core_axis_name="c", subcore_axis_name="s"),
    scratch_types=[
        pltpu.VMEM((NUM_FIELDS, CHUNK), jnp.int32),
        pltpu.VMEM((NUM_FIELDS, CHUNK), jnp.float32),
        pltpu.VMEM((L,), jnp.int32),
        pltpu.VMEM((L,), jnp.float32),
        pltpu.VMEM((CHUNK,), jnp.float32),
        pltpu.VMEM_SHARED((NUM_FEATURES,), jnp.float32),
        pltpu.SemaphoreType.DMA,
        pltpu.SemaphoreType.DMA,
    ],
)
def _sc_linear(x_hbm, table_hbm, bias_hbm, out_hbm,
               idx_v, vals_v, zi_v, bias_v, out_v, tbl_sh, gsem, bsem):
    wid = lax.axis_index("s") * NC + lax.axis_index("c")
    sid = lax.axis_index("s")
    row_base = wid * CHUNK

    pltpu.sync_copy(x_hbm.at[:, pl.ds(row_base, CHUNK)], idx_v)

    zi_v[...] = jnp.zeros((L,), jnp.int32)
    bias_cp = pltpu.async_copy(bias_hbm.at[zi_v], bias_v, bsem)

    @pl.when(sid == 0)
    def _():
        pltpu.sync_copy(table_hbm, tbl_sh)

    plsc.subcore_barrier()

    def fire(f, carry):
        pltpu.async_copy(tbl_sh.at[idx_v.at[f]], vals_v.at[f], gsem)
        return carry

    def drain(f, carry):
        pltpu.make_async_copy(tbl_sh.at[idx_v.at[f]], vals_v.at[f], gsem).wait()
        return carry

    lax.fori_loop(0, NUM_FIELDS, fire, 0)
    bias_cp.wait()
    lax.fori_loop(0, NUM_FIELDS, drain, 0)

    bias_vec = bias_v[...]

    def reduce_group(g, carry):
        def add_field(f, acc):
            return acc + vals_v[f, pl.ds(g * L, L)]

        acc = lax.fori_loop(0, NUM_FIELDS, add_field, bias_vec)
        out_v[pl.ds(g * L, L)] = acc
        return carry

    lax.fori_loop(0, GROUPS, reduce_group, 0)

    pltpu.sync_copy(out_v, out_hbm.at[pl.ds(row_base, CHUNK)])


def kernel(x, table, bias):
    return _sc_linear(x.T, table[:, 0], bias)

# --- scband reference (transcript-rebuilt; emitter-appended) ---
"""Pipeline reference for scband-logistic-regression-model-70617852281255 (READ-ONLY COPY).

The authoritative reference and input builder live on the scoring server;
editing this copy changes nothing except your own understanding.
"""

import jax, jax.numpy as jnp
import numpy as np

BATCH = 4096
NUM_FIELDS = 26
NUM_FEATURES = 100000

def setup_inputs(seed: int = 0) -> dict:
    key = jax.random.key(seed)
    k1, k2 = jax.random.split(key, 2)
    # Long tensor of feature ids, one id per field
    x = jax.random.randint(k1, (BATCH, NUM_FIELDS), 0, NUM_FEATURES, dtype=jnp.int32)
    # Learned parameters of FeaturesLinear: per-feature scalar weight + bias
    table = jax.random.normal(k2, (NUM_FEATURES, 1), dtype=jnp.float32) * 0.01
    bias = jnp.zeros((1,), dtype=jnp.float32)
    return {"x": x, "table": table, "bias": bias}

def reference(x, table, bias):
    # FeaturesLinear: gather per-feature weights, sum over fields, add bias
    emb = jnp.take(table, x, axis=0)            # [B, F, 1]
    scores = jnp.sum(emb, axis=1) + bias         # [B, 1]
    return jnp.squeeze(scores, axis=1)           # [B]

if __name__ == "__main__":
    import jax
    _d = setup_inputs()
    print(jax.jit(kernel)(*tuple(_d.values())))

</pallas_src>

<mosaic_0001>
#map = affine_map<(d0, d1) -> (0, 0)>
#map1 = affine_map<(d0, d1) -> (0)>
module attributes {stable_mosaic.version = 14 : i64} {
  func.func @_sc_linear(%arg0: i32, %arg1: i32, %arg2: memref<26x4096xi32, #tpu.memory_space<hbm>>, %arg3: memref<100000xf32, #tpu.memory_space<hbm>>, %arg4: memref<1xf32, #tpu.memory_space<hbm>>, %arg5: memref<4096xf32, #tpu.memory_space<hbm>>, %arg6: memref<26x128xi32, #tpu.memory_space<vmem>>, %arg7: memref<26x128xf32, #tpu.memory_space<vmem>>, %arg8: memref<16xi32, #tpu.memory_space<vmem>>, %arg9: memref<16xf32, #tpu.memory_space<vmem>>, %arg10: memref<128xf32, #tpu.memory_space<vmem>>, %arg11: memref<100000xf32, #tpu.memory_space<vmem_shared>>, %arg12: memref<!tpu.dma_semaphore, #tpu.memory_space<semaphore_mem>>, %arg13: memref<!tpu.dma_semaphore, #tpu.memory_space<semaphore_mem>>) attributes {dimension_semantics = [#tpu.dimension_semantics<core_parallel>, #tpu.dimension_semantics<subcore_parallel>], iteration_bounds = array<i64: 2, 16>, scalar_prefetch = 0 : i64, scratch_operands = 8 : i64, tpu.core_type = #tpu.core_type<sc_vector_subcore>, window_params = [{transform_indices = #map}, {transform_indices = #map1}, {transform_indices = #map1}, {transform_indices = #map1}]} {
    %mul3A = arith.constant 2 : i32
    %mul3A_0 = arith.muli %arg1, %mul3A : i32
    %add3A = arith.addi %mul3A_0, %arg0 : i32
    %mul3A_1 = arith.constant 128 : i32
    %mul3A_2 = arith.muli %add3A, %mul3A_1 : i32
    "tpu.region"() ({
      %run_scoped3A = tpu.sem_alloc : memref<!tpu.dma_semaphore, #tpu.memory_space<semaphore_mem>>
      %dma_start3A_30 = arith.constant 0 : i32
      %dma_start3A_31 = tpu.memref_slice %arg2[%dma_start3A_30, %mul3A_2] : memref<26x4096xi32, #tpu.memory_space<hbm>> -> memref<26x128xi32, #tpu.memory_space<hbm>>
      %dma_start3A_32 = arith.constant 0 : i32
      %dma_start3A_33 = tpu.memref_slice %arg2[%dma_start3A_32, %mul3A_2] : memref<26x4096xi32, #tpu.memory_space<hbm>> -> memref<26x128xi32, #tpu.memory_space<hbm>>
      tpu.enqueue_dma source(%dma_start3A_33 : memref<26x128xi32, #tpu.memory_space<hbm>>) target(%arg6 : memref<26x128xi32, #tpu.memory_space<vmem>>) target_semaphore(%run_scoped3A : memref<!tpu.dma_semaphore, #tpu.memory_space<semaphore_mem>>)
      %dma_wait3A_34 = arith.constant 0 : i32
      %dma_wait3A_35 = tpu.memref_slice %arg2[%dma_wait3A_34, %mul3A_2] : memref<26x4096xi32, #tpu.memory_space<hbm>> -> memref<26x128xi32, #tpu.memory_space<hbm>>
      %dma_wait3A_36 = arith.constant 0 : i32
      %dma_wait3A_37 = tpu.memref_slice %arg2[%dma_wait3A_36, %mul3A_2] : memref<26x4096xi32, #tpu.memory_space<hbm>> -> memref<26x128xi32, #tpu.memory_space<hbm>>
      tpu.wait_dma2 semaphore(%run_scoped3A : memref<!tpu.dma_semaphore, #tpu.memory_space<semaphore_mem>>) src(%dma_wait3A_37 : memref<26x128xi32, #tpu.memory_space<hbm>>) dst(%arg6 : memref<26x128xi32, #tpu.memory_space<vmem>>)
      tpu.yield
    }) : () -> ()
    %broadcast_in_dim3A = arith.constant 0 : i32
    %broadcast_in_dim3A_3 = vector.broadcast %broadcast_in_dim3A : i32 to vector<16xi32>
    %swap3A = arith.constant 0 : index
    %swap3A_4 = tpu.vector_load %arg8[%swap3A] {strides = array<i32>} : memref<16xi32, #tpu.memory_space<vmem>>, vector<16xi32>,
    %swap3A_5 = vector.shape_cast %swap3A_4 : vector<16xi32> to vector<16xi32>
    %swap3A_6 = vector.shape_cast %broadcast_in_dim3A_3 : vector<16xi32> to vector<16xi32>
    tpu.vector_store %arg8[%swap3A], %swap3A_6 {strides = array<i32>} : memref<16xi32, #tpu.memory_space<vmem>>, vector<16xi32>,
    %dma_start3A = arith.constant 0 : i32
    %dma_start3A_7 = tpu.memref_slice %arg4[%dma_start3A] : memref<1xf32, #tpu.memory_space<hbm>> -> memref<1xf32, #tpu.memory_space<hbm>>
    tpu.enqueue_indirect_dma source(%dma_start3A_7 : memref<1xf32, #tpu.memory_space<hbm>>) target(%arg9 : memref<16xf32, #tpu.memory_space<vmem>>) offsets(%arg8 : memref<16xi32, #tpu.memory_space<vmem>>) semaphore(%arg13 : memref<!tpu.dma_semaphore, #tpu.memory_space<semaphore_mem>>)
    %eq3A = arith.constant 0 : i32
    %eq3A_8 = arith.cmpi eq, %arg1, %eq3A : i32
    %convert_element_type3A = arith.extui %eq3A_8 : i1 to i32
    %cond3A = arith.constant 0 : i32
    %cond3A_9 = arith.cmpi ne, %convert_element_type3A, %cond3A : i32
    scf.if %cond3A_9 {
      "tpu.region"() ({
        %run_scoped3A = tpu.sem_alloc : memref<!tpu.dma_semaphore, #tpu.memory_space<semaphore_mem>>
        tpu.enqueue_dma source(%arg3 : memref<100000xf32, #tpu.memory_space<hbm>>) target(%arg11 : memref<100000xf32, #tpu.memory_space<vmem_shared>>) target_semaphore(%run_scoped3A : memref<!tpu.dma_semaphore, #tpu.memory_space<semaphore_mem>>)
        tpu.wait_dma2 semaphore(%run_scoped3A : memref<!tpu.dma_semaphore, #tpu.memory_space<semaphore_mem>>) src(%arg3 : memref<100000xf32, #tpu.memory_space<hbm>>) dst(%arg11 : memref<100000xf32, #tpu.memory_space<vmem_shared>>)
        tpu.yield
      }) : () -> ()
    } else {
    }
    %barrier3A = arith.constant 0 : index
    tpu.barrier barrier_id(%barrier3A)
    %scan3A = arith.constant 0 : i32
    %scan3A_10 = arith.constant 0 : i32
    %scan3A_11 = arith.constant 26 : i32
    %scan3A_12 = arith.addi %scan3A_10, %scan3A_11 : i32
    %scan3A_13 = arith.constant 1 : i32
    scf.for %scan3A_30 = %scan3A_10 to %scan3A_12 step %scan3A_13  : i32 {
      %dma_start3A_31 = arith.constant 0 : i32
      %dma_start3A_32 = tpu.memref_slice %arg7[%scan3A_30, %dma_start3A_31] : memref<26x128xf32, #tpu.memory_space<vmem>> -> memref<1x128xf32, #tpu.memory_space<vmem>>
      %dma_start3A_33 = tpu.memref_squeeze %dma_start3A_32 : memref<1x128xf32, #tpu.memory_space<vmem>> -> memref<128xf32, #tpu.memory_space<vmem>>
      %dma_start3A_34 = arith.constant 0 : i32
      %dma_start3A_35 = tpu.memref_slice %arg6[%scan3A_30, %dma_start3A_34] : memref<26x128xi32, #tpu.memory_space<vmem>> -> memref<1x128xi32, #tpu.memory_space<vmem>>
      %dma_start3A_36 = tpu.memref_squeeze %dma_start3A_35 : memref<1x128xi32, #tpu.memory_space<vmem>> -> memref<128xi32, #tpu.memory_space<vmem>>
      %dma_start3A_37 = arith.constant 0 : i32
      %dma_start3A_38 = tpu.memref_slice %arg11[%dma_start3A_37] : memref<100000xf32, #tpu.memory_space<vmem_shared>> -> memref<100000xf32, #tpu.memory_space<vmem_shared>>
      tpu.enqueue_indirect_dma source(%dma_start3A_38 : memref<100000xf32, #tpu.memory_space<vmem_shared>>) target(%dma_start3A_33 : memref<128xf32, #tpu.memory_space<vmem>>) offsets(%dma_start3A_36 : memref<128xi32, #tpu.memory_space<vmem>>) semaphore(%arg12 : memref<!tpu.dma_semaphore, #tpu.memory_space<semaphore_mem>>)
    }
    %scan3A_14 = arith.constant 26 : i32
    %dma_wait3A = arith.constant 0 : i32
    %dma_wait3A_15 = tpu.memref_slice %arg4[%dma_wait3A] : memref<1xf32, #tpu.memory_space<hbm>> -> memref<1xf32, #tpu.memory_space<hbm>>
    tpu.wait_indirect_dma semaphore(%arg13 : memref<!tpu.dma_semaphore, #tpu.memory_space<semaphore_mem>>) src(%dma_wait3A_15 : memref<1xf32, #tpu.memory_space<hbm>>) dst(%arg9 : memref<16xf32, #tpu.memory_space<vmem>>)
    %scan3A_16 = arith.constant 0 : i32
    %scan3A_17 = arith.constant 0 : i32
    %scan3A_18 = arith.constant 26 : i32
    %scan3A_19 = arith.addi %scan3A_17, %scan3A_18 : i32
    %scan3A_20 = arith.constant 1 : i32
    scf.for %scan3A_30 = %scan3A_17 to %scan3A_19 step %scan3A_20  : i32 {
      %dma_wait3A_31 = arith.constant 0 : i32
      %dma_wait3A_32 = tpu.memref_slice %arg7[%scan3A_30, %dma_wait3A_31] : memref<26x128xf32, #tpu.memory_space<vmem>> -> memref<1x128xf32, #tpu.memory_space<vmem>>
      %dma_wait3A_33 = tpu.memref_squeeze %dma_wait3A_32 : memref<1x128xf32, #tpu.memory_space<vmem>> -> memref<128xf32, #tpu.memory_space<vmem>>
      %dma_wait3A_34 = arith.constant 0 : i32
      %dma_wait3A_35 = tpu.memref_slice %arg6[%scan3A_30, %dma_wait3A_34] : memref<26x128xi32, #tpu.memory_space<vmem>> -> memref<1x128xi32, #tpu.memory_space<vmem>>
      %dma_wait3A_36 = tpu.memref_squeeze %dma_wait3A_35 : memref<1x128xi32, #tpu.memory_space<vmem>> -> memref<128xi32, #tpu.memory_space<vmem>>
      %dma_wait3A_37 = arith.constant 0 : i32
      %dma_wait3A_38 = tpu.memref_slice %arg11[%dma_wait3A_37] : memref<100000xf32, #tpu.memory_space<vmem_shared>> -> memref<100000xf32, #tpu.memory_space<vmem_shared>>
      tpu.wait_indirect_dma semaphore(%arg12 : memref<!tpu.dma_semaphore, #tpu.memory_space<semaphore_mem>>) src(%dma_wait3A_38 : memref<100000xf32, #tpu.memory_space<vmem_shared>>) dst(%dma_wait3A_33 : memref<128xf32, #tpu.memory_space<vmem>>)
    }
    %scan3A_21 = arith.constant 26 : i32
    %get3A = arith.constant 0 : index
    %get3A_22 = tpu.vector_load %arg9[%get3A] {strides = array<i32>} : memref<16xf32, #tpu.memory_space<vmem>>, vector<16xf32>,
    %get3A_23 = vector.shape_cast %get3A_22 : vector<16xf32> to vector<16xf32>
    %scan3A_24 = arith.constant 0 : i32
    %scan3A_25 = arith.constant 0 : i32
    %scan3A_26 = arith.constant 8 : i32
    %scan3A_27 = arith.addi %scan3A_25, %scan3A_26 : i32
    %scan3A_28 = arith.constant 1 : i32
    scf.for %scan3A_30 = %scan3A_25 to %scan3A_27 step %scan3A_28  : i32 {
      %scan3A_31 = arith.constant 0 : i32
      %scan3A_32 = arith.constant 26 : i32
      %scan3A_33 = arith.addi %scan3A_31, %scan3A_32 : i32
      %scan3A_34 = arith.constant 1 : i32
      %scan3A_35 = scf.for %scan3A_43 = %scan3A_31 to %scan3A_33 step %scan3A_34 iter_args(%scan3A_44 = %get3A_23) -> (vector<16xf32>)  : i32 {
        %mul3A_45 = arith.constant 16 : i32
        %mul3A_46 = arith.muli %scan3A_30, %mul3A_45 : i32
        %get3A_47 = arith.index_cast %scan3A_43 : i32 to index
        %get3A_48 = arith.index_cast %mul3A_46 : i32 to index
        %get3A_49 = tpu.vector_load %arg7[%get3A_47, %get3A_48] {strides = array<i32>} : memref<26x128xf32, #tpu.memory_space<vmem>>, vector<1x16xf32>,
        %get3A_50 = vector.shape_cast %get3A_49 : vector<1x16xf32> to vector<16xf32>
        %add3A_51 = arith.addf %scan3A_44, %get3A_50 : vector<16xf32>
        scf.yield %add3A_51 : vector<16xf32>
      }
      %scan3A_36 = arith.constant 26 : i32
      %mul3A_37 = arith.constant 16 : i32
      %mul3A_38 = arith.muli %scan3A_30, %mul3A_37 : i32
      %swap3A_39 = arith.index_cast %mul3A_38 : i32 to index
      %swap3A_40 = tpu.vector_load %arg10[%swap3A_39] {strides = array<i32>} : memref<128xf32, #tpu.memory_space<vmem>>, vector<16xf32>,
      %swap3A_41 = vector.shape_cast %swap3A_40 : vector<16xf32> to vector<16xf32>
      %swap3A_42 = vector.shape_cast %scan3A_35 : vector<16xf32> to vector<16xf32>
      tpu.vector_store %arg10[%swap3A_39], %swap3A_42 {strides = array<i32>} : memref<128xf32, #tpu.memory_space<vmem>>, vector<16xf32>,
    }
    %scan3A_29 = arith.constant 8 : i32
    "tpu.region"() ({
      %run_scoped3A = tpu.sem_alloc : memref<!tpu.dma_semaphore, #tpu.memory_space<semaphore_mem>>
      %dma_start3A_30 = tpu.memref_slice %arg5[%mul3A_2] : memref<4096xf32, #tpu.memory_space<hbm>> -> memref<128xf32, #tpu.memory_space<hbm>>
      %dma_start3A_31 = tpu.memref_slice %arg5[%mul3A_2] : memref<4096xf32, #tpu.memory_space<hbm>> -> memref<128xf32, #tpu.memory_space<hbm>>
      tpu.enqueue_dma source(%arg10 : memref<128xf32, #tpu.memory_space<vmem>>) target(%dma_start3A_31 : memref<128xf32, #tpu.memory_space<hbm>>) target_semaphore(%run_scoped3A : memref<!tpu.dma_semaphore, #tpu.memory_space<semaphore_mem>>)
      %dma_wait3A_32 = tpu.memref_slice %arg5[%mul3A_2] : memref<4096xf32, #tpu.memory_space<hbm>> -> memref<128xf32, #tpu.memory_space<hbm>>
      %dma_wait3A_33 = tpu.memref_slice %arg5[%mul3A_2] : memref<4096xf32, #tpu.memory_space<hbm>> -> memref<128xf32, #tpu.memory_space<hbm>>
      tpu.wait_dma2 semaphore(%run_scoped3A : memref<!tpu.dma_semaphore, #tpu.memory_space<semaphore_mem>>) src(%arg10 : memref<128xf32, #tpu.memory_space<vmem>>) dst(%dma_wait3A_33 : memref<128xf32, #tpu.memory_space<hbm>>)
      tpu.yield
    }) : () -> ()
    return
  }
}

</mosaic_0001>

<sc_bundles>
// kernel: kernel.3.cloned.1.call-start
scs
__scs_entry_jumppad:
0x0: {  	(pc) =	sbr.rel $0x88, $3  }
0x1: {  	(tag) =	ssettag $0x0;
	lr =	simm.s32 $0x1  }
0x2: {  	[smem:$0x3F9E] =	sst lr;
	_ =	strace $0xD0000000  }
0x3: {  	_ = 	snop  }
0x4: {  	_ = 	snop  }
0x5: {  	_ = 	snop  }
0x6: {  	_ = 	snop  }
0x7: {  	_ = 	snop  }
__scs_overlays_trampoline_lowered:
0x8: {  	[smem:$0x3FAD] =	sst s0  }
0x9: {  	[smem:$0x3FAE] =	sst s1  }
0xa: {  	[smem:$0x3FAF] =	sst s2  }
0xb: {  	[smem:$0x3FB0] =	sst s3  }
0xc: {  	[smem:$0x3FB1] =	sst s4  }
0xd: {  	[smem:$0x3FB2] =	sst s5  }
0xe: {  	[smem:$0x3FB3] =	sst s6  }
0xf: {  	[smem:$0x3FB4] =	sst s7  }
0x10: {  	[smem:$0x3FB5] =	sst s8  }
0x11: {  	[smem:$0x3FB6] =	sst s9;
	s0 =	simm.s32 @!p0 $0x0  }
0x12: {  	s1 =	sld [smem:$0x3F9C];
	s0 =	simm.s32 @p0 $0x1  }
0x13: {  	[smem:$0x3FB7] =	sst s0;
	s0 =	simm.s32 @!p1 $0x0  }
0x14: {  	s2 =	sld [smem:$0x3F9B];
	s0 =	simm.s32 @p1 $0x1  }
0x15: {  	[smem:$0x3FB8] =	sst s0;
	s0 =	simm.s32 @!p2 $0x0  }
0x16: {  	s3 =	sld [smem:$0x3FDB];
	s0 =	simm.s32 @p2 $0x1  }
0x17: {  	s4 =	simm.s32 $0x1BF5;
	[smem:$0x3FBA] =	sst s0  }
0x18: {  	s0 =	sld [smem:$0x3F9D];
	_ =	swait.ge [sflag:s4], $0x0  }
0x19: {  	s7 =	sld [smem:$0x3F9E]  }
0x1a: {  	s8 =	sadd.s32 $0xFFFFE003, lr  }
0x1b: {  	s9 =	sadd.s32 $0xFFFFFEF7, lr;
	s5 =	simm.s32 $0xFFFFFFFF;
	p2 =	slt.u32 s8, $0xFFFFF086  }
0x1c: {  	p1 =	slt.u32 s9, $0xF7A;
	s5 =	simm.s32 @!p2 $0x0  }
0x1d: {  	s5 =	simm.s32 @p1 $0x1;
	p0 =	seq.s32 s7, s2  }
0x1e: {  	s7 =	smul.u32 @!p0 $0xF7A, s2;
	p2 =	seq.s32 @!p0 s5, $0x0  }
0x1f: {  	s9 =	smul.u32 $0xF7A, s1;
	s8 =	simm.s32 @!p0 $0x1BF5;
	p2 =	por !p2, p0  }
0x20: {  	[sflag:s8] =	ssyncset.s32 @!p0 $0xFFFFF086;
	s6 =	sadd.s32 @!p0 s3, s7;
	s7 =	simm.s32 @!p0 $0x108  }
0x21: {  	s3 =	sadd.s32 s3, s9;
	s6 =	sadd.s32 @!p0 $0x88, s6;
	s7 =	simm.s32 @p2 $0x1082  }
0x22: {  	[simem:s7], [sflag:s8] =	dma.local @!p0 [hbm:s6], $0xF7A  }
0x23: {  	s9 =	sor.u32 $0xD0000000, s2;
	s6 =	simm.s32 $0x108;
	_ =	swait.ge @!p0 [sflag:s8], $0x0  }
0x24: {  	s3 =	sadd.s32 $0x88, s3;
	s6 =	simm.s32 @!p1 $0x1082;
	[sflag:s4] =	ssyncset.s32 $0xFFFFF086  }
0x25: {  	[simem:s6], [sflag:s4] =	dma.local [hbm:s3], $0xF7A  }
0x26: {  	[smem:$0x3F9E] =	sst s1;
	(tag) =	ssettag s2;
	_ =	strace s9  }
0x27: {  	s1 =	sld [smem:$0x3FAE]  }
0x28: {  	s2 =	sld [smem:$0x3FAF]  }
0x29: {  	s4 =	sld [smem:$0x3FB1]  }
0x2a: {  	p0 =	seq.s32 s5, $0x0;
	s5 =	sld [smem:$0x3FB2]  }
0x2b: {  	s6 =	sld [smem:$0x3FB3]  }
0x2c: {  	s7 =	sld [smem:$0x3FB4]  }
0x2d: {  	s3 =	simm.s32 $0x108;
	s8 =	sld [smem:$0x3FB5]  }
0x2e: {  	s3 =	simm.s32 @!p0 $0x1082;
	s9 =	sld [smem:$0x3FB6]  }
0x2f: {  	lr =	sadd.s32 s0, s3;
	s0 =	sld [smem:$0x3FAD]  }
0x30: {  	s3 =	sld [smem:$0x3FB0]  }
0x31: {  	[smem:$0x3FB9] =	sst s10  }
0x32: {  	s10 =	sld [smem:$0x3FB7];
	_ =	sdelay $0x3  }
0x33: {  	p0 =	seq.s32 s10, $0x1;
	s10 =	sld [smem:$0x3FB9];
	_ =	sdelay $0x3  }
0x34: {  	[smem:$0x3FB9] =	sst s10  }
0x35: {  	s10 =	sld [smem:$0x3FB8];
	_ =	sdelay $0x3  }
0x36: {  	p1 =	seq.s32 s10, $0x1;
	s10 =	sld [smem:$0x3FB9];
	_ =	sdelay $0x3  }
0x37: {  	[smem:$0x3FB9] =	sst s10  }
0x38: {  	s10 =	sld [smem:$0x3FBA]  }
0x39: {  	_ = 	snop;
	(pc) =	sbr.ind lr, $3  }
0x3a: {  	_ = 	snop  }
0x3b: {  	_ = 	snop  }
0x3c: {  	p2 =	seq.s32 s10, $0x1;
	s10 =	sld [smem:$0x3FB9]  }
0x3d: {  	_ =	shalt  }
0x3e: {  	_ =	shalt  }
0x3f: {  	_ =	shalt  }
0x40: {  	_ =	shalt  }
0x41: {  	_ =	shalt  }
0x42: {  	_ =	shalt  }
0x43: {  	_ =	shalt  }
0x44: {  	_ =	shalt  }
0x45: {  	_ =	shalt  }
0x46: {  	_ =	shalt  }
0x47: {  	_ =	shalt  }
0x48: {  	_ =	shalt  }
0x49: {  	_ =	shalt  }
0x4a: {  	_ =	shalt  }
0x4b: {  	_ =	shalt  }
0x4c: {  	_ =	shalt  }
0x4d: {  	_ =	shalt  }
0x4e: {  	_ =	shalt  }
0x4f: {  	_ =	shalt  }
0x50: {  	_ =	shalt  }
0x51: {  	_ =	shalt  }
0x52: {  	_ =	shalt  }
0x53: {  	_ =	shalt  }
0x54: {  	_ =	shalt  }
0x55: {  	_ =	shalt  }
0x56: {  	_ =	shalt  }
0x57: {  	_ =	shalt  }
0x58: {  	_ =	shalt  }
0x59: {  	_ =	shalt  }
0x5a: {  	_ =	shalt  }
0x5b: {  	_ =	shalt  }
0x5c: {  	_ =	shalt  }
0x5d: {  	_ =	shalt  }
0x5e: {  	_ =	shalt  }
0x5f: {  	_ =	shalt  }
0x60: {  	_ =	shalt  }
0x61: {  	_ =	shalt  }
0x62: {  	_ =	shalt  }
0x63: {  	_ =	shalt  }
0x64: {  	_ =	shalt  }
0x65: {  	_ =	shalt  }
0x66: {  	_ =	shalt  }
0x67: {  	_ =	shalt  }
0x68: {  	_ =	shalt  }
0x69: {  	_ =	shalt  }
0x6a: {  	_ =	shalt  }
0x6b: {  	_ =	shalt  }
0x6c: {  	_ =	shalt  }
0x6d: {  	_ =	shalt  }
0x6e: {  	_ =	shalt  }
0x6f: {  	_ =	shalt  }
0x70: {  	_ =	shalt  }
0x71: {  	_ =	shalt  }
0x72: {  	_ =	shalt  }
0x73: {  	_ =	shalt  }
0x74: {  	_ =	shalt  }
0x75: {  	_ =	shalt  }
0x76: {  	_ =	shalt  }
0x77: {  	_ =	shalt  }
0x78: {  	_ =	shalt  }
0x79: {  	_ =	shalt  }
0x7a: {  	_ =	shalt  }
0x7b: {  	_ =	shalt  }
0x7c: {  	_ =	shalt  }
0x7d: {  	_ =	shalt  }
0x7e: {  	_ =	shalt  }
0x7f: {  	_ =	shalt  }
0x80: {  	_ =	shalt  }
0x81: {  	_ =	shalt  }
0x82: {  	_ =	shalt  }
0x83: {  	_ =	shalt  }
0x84: {  	_ =	shalt  }
0x85: {  	_ =	shalt  }
0x86: {  	_ =	shalt  }
0x87: {  	_ =	shalt  }
.Lfunc_end0:
.L_simem_size_0:
called_computation_lowered:
.L_overlay_start_0:
0x88: {  	s2 =	sld [smem:$0x3FD9]  }
0x89: {  	s3 =	sld [smem:$0x3FFE];
	_ =	sdelay $0x1  }
0x8a: {  	s1 =	srdreg.scid  }
0x8b: {  	s0 =	sand.u32 $0x1, s1  }
0x8c: {  	s17 =	sshll.u32 s0, $0xA;
	s2 =	sadd.s32 s3, s2  }
0x8d: {  	s2 =	sadd.s32 s2, s17  }
0x8e: {  	[smem:$0x3FC5] =	sst s2  }
0x8f: {  	_ = 	snop  }
0x90: {  	s2 =	sld [smem:$0x3FC9]  }
0x91: {  	s18 =	sld [smem:$0x3FC7]  }
0x92: {  	s4 =	sld [smem:$0x3FD0];
	(tm) =	ssettm $0x1  }
0x93: {  	s5 =	sld [smem:$0x3FFB];
	_ =	sdelay $0x3  }
0x94: {  	_ =	strace s5  }
0x95: {  	s5 =	sld [smem:$0x3FFC];
	_ =	sdelay $0x3  }
0x96: {  	_ =	strace s5  }
0x97: {  	s5 =	sld [smem:$0x3FFD];
	_ =	sdelay $0x3  }
0x98: {  	_ =	strace s5  }
0x99: {  	_ =	strace $0x8FFFFFFF  }
0x9a: {  	s19 =	sld [smem:$0x3FDB];
	_ =	sdelay $0x1  }
0x9b: {  	s6 =	simm.s32 $_scs_section_size  }
0x9c: {  	s7 =	simm.s32 $_size__tile_overlayer_lowered;
	s8 =	simm.s32 $_tile_overlayer_lowered  }
0x9d: {  	s22 =	simm.s32 $0x1BFF;
	s21 =	sshll.u32 s8, $0x1;
	s5 =	sadd.s32 s6, s19  }
0x9e: {  	s9 =	simm.s32 $0x0;
	s20 =	sshll.u32 s7, $0x1;
	s7 =	sadd.s32 s21, s5  }
0x9f: {  	[timem:s9], [sflag:s22] =	dma.local [hbm:s7], s20  }
0xa0: {  	_ =	swait.ge [sflag:s22], s20  }
0xa1: {  	s6 =	ssub.s32 $0x0, s20;
	[sflag:s22] =	ssyncset.done $0x0  }
0xa2: {  	[sflag:s22] =	ssyncadd.s32 s6;
	_ =	sdelay $0x1  }
0xa3: {  	s23 =	simm.s32 $0x1B8B  }
0xa4: {  	_ =	swait.ge [sflag:s23], $0x1  }
0xa5: {  	[sflag:s23] =	ssyncset.done $0x0  }
0xa6: {  	s25 =	simm.s32 $0x1B8E;
	s24 =	sld [smem:$0x3FFE];
	[sflag:s23] =	ssyncadd.s32 $0xFFFFFFFF  }
0xa7: {  	s26 =	simm.s32 $execute0_lowered;
	[smem:$0x3FD2] =	sst s25  }
0xa8: {  	s7 =	sshll.u32 s26, $0x1;
	_ =	strace $0x80000046;
	[dreg:$0x1] =	wrdreg $0xFFFFFFFF  }
0xa9: {  	s28 =	simm.s32 $_size_execute0_lowered;
	s5 =	sadd.s32 s5, s7;
	[dreg:$0x0] =	wrdreg $0x0  }
0xaa: {  	s7 =	sshll.u32 s28, $0x1;
	[dreg:$0x2] =	wrdreg s5  }
0xab: {  	[dreg:$0x3] =	wrdreg s7  }
0xac: {  	[dreg:$0x4] =	wrdreg $0xC0  }
0xad: {  	_ =	task [dreg:s9], $0x5FFFF  }
0xae: {  	[dreg:$0x1] =	wrdreg $0xFFFFFFFF  }
0xaf: {  	[dreg:$0x0] =	wrdreg $0x60  }
0xb0: {  	[dreg:$0x2] =	wrdreg s2  }
0xb1: {  	[dreg:$0x3] =	wrdreg s24  }
0xb2: {  	[dreg:$0x4] =	wrdreg s18  }
0xb3: {  	[dreg:$0x5] =	wrdreg s4  }
0xb4: {  	[dreg:$0x6] =	wrdreg $0x21800  }
0xb5: {  	[dreg:$0x7] =	wrdreg $0x9  }
0xb6: {  	_ =	task.clear_ibuf [dreg:s9], $0x8FFFF;
	_ =	strace $0x90000046  }
0xb7: {  	s29 =	simm.s32 $0x9;
	_ =	strace $0x80000048  }
0xb8: {  	_ =	swait.ge [sflag:s29], $0x1  }
0xb9: {  	[sflag:s29] =	ssyncadd.s32 $0xFFFFFFFF  }
0xba: {  	_ =	strace $0x90000048  }
0xbb: {  	_ =	sfence  }
0xbc: {  	s30 =	sld [smem:$0x0];
	_ =	sdelay $0x2  }
0xbd: {  	s31 =	sshll.u32 s1, $0xD;
	s1 =	sshrl.u32 s1, $0x2  }
0xbe: {  	s3 =	sand.u32 $0x4000, s31;
	s1 =	sadd.s32 s1, s30  }
0xbf: {  	s0 =	sor.u32 s3, s0;
	s1 =	sshll.u32 s1, $0x11  }
0xc0: {  	s0 =	sor.u32 s1, s0  }
0xc1: {  	s0 =	sadd.s32 $0x8F2B, s0  }
0xc2: {  	[sflag:s0] =	ssyncadd.remote.s32 $0x1  }
0xc3: {  	_ =	sfence.sel $0xFFFF  }
0xc4: {  	[dreg:$0x0] =	wrdreg $0xFFFFFFFF;
	(pc) =	sbr.abs _section_cstart, $3  }
0xc5: {  	[dreg:$0x1] =	wrdreg $0xFFFFFFFF  }
0xc6: {  	_ =	task.clear_ibuf [dreg:s9], $0x2FFFF;
	_ =	strace $0x9FFFFFFF  }
0xc7: {  	(tm) =	ssettm $0x7FFFFFFF  }
tec
execute0_lowered:
.L_overlay_start_1:
0x0: {  	(tag) =	ssettag $0x1  }
0x1: {  	s0 =	rddreg [dreg:$0x0]  }
0x2: {  	s1 =	rddreg [dreg:$0x3]  }
0x3: {  	s3 =	rddreg [dreg:$0x4]  }
0x4: {  	s2 =	srdreg.scid;
	s9 =	stileid.u32;
	s4 =	simm.s32 $0x0  }
0x5: {  	s11 =	simm.s32 $0xC00;
	s12 =	simm.s32 $0x3;
	s17 =	simm.s32 $0x80  }
0x6: {  	s10 =	simm.s32 $0x1980;
	s13 =	simm.s32 $0xA00;
	s14 =	simm.s32 $0x1A00  }
0x7: {  	s15 =	simm.s32 $0xA80;
	s18 =	simm.s32 $0x1A80;
	s19 =	simm.s32 $0xB00  }
0x8: {  	s20 =	simm.s32 $0x1B00;
	s21 =	simm.s32 $0xB80;
	s22 =	simm.s32 $0x1B80  }
0x9: {  	s23 =	simm.s32 $0x1C00;
	s24 =	simm.s32 $0xC80;
	s25 =	simm.s32 $0x1C80  }
0xa: {  	s26 =	simm.s32 $0x2;
	s28 =	simm.s32 $0x1;
	s29 =	simm.s32 $0x2100  }
0xb: {  	s30 =	simm.s32 $0x0;
	s2 =	sand.u32 $0x1, s2;
	s5 =	sshll.u32 s9, $0x1  }
0xc: {  	[smem:$0x7FF] =	sst s4;
	p0 =	sne.s32 s9, $0x0;
	s9 =	simm.s32 $0x400  }
0xd: {  	s6 =	sor.u32 s2, s5;
	_ =	strace $0x80000047;
	s2 =	ssub.s32 $0x2, s2  }
0xe: {  	s16 =	sshrl.u32 @!p0 s3, $0x3;
	s5 =	sshll.u32 s6, $0x7;
	s7 =	sshrl.u32 s2, $0x1  }
0xf: {  	s31 =	sshll.u32 s6, $0x4;
	s5 =	sadd.s32 s0, s5;
	s2 =	ssub.s32 s2, s7  }
0x10: {  	v0 =	vimm.s32 $0x0;
	s7 =	sadd.s32 s1, s31;
	s6 =	sadd.s32 $0x3000, s5;
	s8 =	smax.u32 s2, $0x1  }
.LBB2_1:
0x11: {  	s0 =	simm.s32 $0x8000  }
0x12: {  	[tilespmem:s4], [sflag:$0x3] =	stream.strided.gather [hbm4b:s5+s9], $0xC00, s0, s9, $0x38;
	[tilespmem:$0x39F0] =	vst v63  }
0x13: {  	_ = 	snop  }
0x14: {  	[tilespmem:s11], [sflag:$0x3] =	stream.linear.gather [hbm4b:s6+s4], $0x100, $0x38;
	[tilespmem:$0x39F0] =	vst v63  }
0x15: {  	_ =	swait.ge [sflag:s12], $0xD00  }
0x16: {  	[sflag:s12] =	ssyncset.done $0x0  }
0x17: {  	s1 =	simm.s32 $0x10;
	[sflag:s12] =	ssyncadd.s32 $0xFFFFF300  }
0x18: {  	s2 =	simm.s32 $0x2000;
	s31 =	simm.s32 $0x2080;
	[tilespmem:$0x2000] =	vst v0;
	s0 =	rddreg [dreg:$0x2]  }
0x19: {  	[tilespmem:s31], [sflag:$0x2] =	stream.indirect.gather [hbm4b:s0+s1], $0x1, s2, s1, $0xb8;
	[tilespmem:$0x39F0] =	vst v63  }
0x1a: {  	s0 =	simm.s32 @!p0 $0x1C03;
	s1 =	rddreg [dreg:$0x1]  }
0x1b: {  	[spmem:s16], [sflag:s0] =	dma.local @!p0 [hbm:s1], $0x30E0  }
0x1c: {  	s0 =	simm.s32 @!p0 $0x3  }
0x1d: {  	_ =	swait.ge @!p0 [sflag:s0], $0x30E0  }
0x1e: {  	[sflag:s0] =	ssyncset.done @!p0 $0x0  }
0x1f: {  	[sflag:s0] =	ssyncadd.s32 @!p0 $0xFFFFCF20  }
0x20: {  	s1 =	simm.s32 $0x1000;
	[bflag:$0x0] =	sbarrier.arrive $0xFFFF  }
0x21: {  	[tilespmem:s1], [sflag:$0x1] =	stream.indirect.gather [spmem:s3], $0x1, s4, s17, $0xb8;
	[tilespmem:$0x39F0] =	vst v63  }
0x22: {  	s2 =	simm.s32 $0x1080  }
0x23: {  	[tilespmem:s2], [sflag:$0x1] =	stream.indirect.gather [spmem:s3], $0x1, s17, s17, $0xb8;
	[tilespmem:$0x39F0] =	vst v63  }
0x24: {  	s1 =	simm.s32 $0x100;
	s2 =	simm.s32 $0x1100  }
0x25: {  	[tilespmem:s2], [sflag:$0x1] =	stream.indirect.gather [spmem:s3], $0x1, s1, s17, $0xb8;
	[tilespmem:$0x39F0] =	vst v63  }
0x26: {  	s1 =	simm.s32 $0x180;
	s2 =	simm.s32 $0x1180  }
0x27: {  	[tilespmem:s2], [sflag:$0x1] =	stream.indirect.gather [spmem:s3], $0x1, s1, s17, $0xb8;
	[tilespmem:$0x39F0] =	vst v63  }
0x28: {  	s1 =	simm.s32 $0x200;
	s2 =	simm.s32 $0x1200  }
0x29: {  	[tilespmem:s2], [sflag:$0x1] =	stream.indirect.gather [spmem:s3], $0x1, s1, s17, $0xb8;
	[tilespmem:$0x39F0] =	vst v63  }
0x2a: {  	s1 =	simm.s32 $0x280;
	s2 =	simm.s32 $0x1280  }
0x2b: {  	[tilespmem:s2], [sflag:$0x1] =	stream.indirect.gather [spmem:s3], $0x1, s1, s17, $0xb8;
	[tilespmem:$0x39F0] =	vst v63  }
0x2c: {  	s1 =	simm.s32 $0x300;
	s2 =	simm.s32 $0x1300  }
0x2d: {  	[tilespmem:s2], [sflag:$0x1] =	stream.indirect.gather [spmem:s3], $0x1, s1, s17, $0xb8;
	[tilespmem:$0x39F0] =	vst v63  }
0x2e: {  	s1 =	simm.s32 $0x380;
	s2 =	simm.s32 $0x1380  }
0x2f: {  	[tilespmem:s2], [sflag:$0x1] =	stream.indirect.gather [spmem:s3], $0x1, s1, s17, $0xb8;
	[tilespmem:$0x39F0] =	vst v63  }
0x30: {  	s2 =	simm.s32 $0x1400  }
0x31: {  	[tilespmem:s2], [sflag:$0x1] =	stream.indirect.gather [spmem:s3], $0x1, s9, s17, $0xb8;
	[tilespmem:$0x39F0] =	vst v63  }
0x32: {  	s1 =	simm.s32 $0x480;
	s2 =	simm.s32 $0x1480  }
0x33: {  	[tilespmem:s2], [sflag:$0x1] =	stream.indirect.gather [spmem:s3], $0x1, s1, s17, $0xb8;
	[tilespmem:$0x39F0] =	vst v63  }
0x34: {  	s1 =	simm.s32 $0x500;
	s2 =	simm.s32 $0x1500  }
0x35: {  	[tilespmem:s2], [sflag:$0x1] =	stream.indirect.gather [spmem:s3], $0x1, s1, s17, $0xb8;
	[tilespmem:$0x39F0] =	vst v63  }
0x36: {  	s1 =	simm.s32 $0x580;
	s2 =	simm.s32 $0x1580  }
0x37: {  	[tilespmem:s2], [sflag:$0x1] =	stream.indirect.gather [spmem:s3], $0x1, s1, s17, $0xb8;
	[tilespmem:$0x39F0] =	vst v63  }
0x38: {  	s1 =	simm.s32 $0x600;
	s2 =	simm.s32 $0x1600  }
0x39: {  	[tilespmem:s2], [sflag:$0x1] =	stream.indirect.gather [spmem:s3], $0x1, s1, s17, $0xb8;
	[tilespmem:$0x39F0] =	vst v63  }
0x3a: {  	s1 =	simm.s32 $0x680;
	s2 =	simm.s32 $0x1680  }
0x3b: {  	[tilespmem:s2], [sflag:$0x1] =	stream.indirect.gather [spmem:s3], $0x1, s1, s17, $0xb8;
	[tilespmem:$0x39F0] =	vst v63  }
0x3c: {  	s1 =	simm.s32 $0x700;
	s2 =	simm.s32 $0x1700  }
0x3d: {  	[tilespmem:s2], [sflag:$0x1] =	stream.indirect.gather [spmem:s3], $0x1, s1, s17, $0xb8;
	[tilespmem:$0x39F0] =	vst v63  }
0x3e: {  	s1 =	simm.s32 $0x780;
	s2 =	simm.s32 $0x1780  }
0x3f: {  	[tilespmem:s2], [sflag:$0x1] =	stream.indirect.gather [spmem:s3], $0x1, s1, s17, $0xb8;
	[tilespmem:$0x39F0] =	vst v63  }
0x40: {  	s1 =	simm.s32 $0x800;
	s2 =	simm.s32 $0x1800  }
0x41: {  	[tilespmem:s2], [sflag:$0x1] =	stream.indirect.gather [spmem:s3], $0x1, s1, s17, $0xb8;
	[tilespmem:$0x39F0] =	vst v63  }
0x42: {  	s1 =	simm.s32 $0x880;
	s2 =	simm.s32 $0x1880  }
0x43: {  	[tilespmem:s2], [sflag:$0x1] =	stream.indirect.gather [spmem:s3], $0x1, s1, s17, $0xb8;
	[tilespmem:$0x39F0] =	vst v63  }
0x44: {  	s1 =	simm.s32 $0x900;
	s2 =	simm.s32 $0x1900  }
0x45: {  	[tilespmem:s2], [sflag:$0x1] =	stream.indirect.gather [spmem:s3], $0x1, s1, s17, $0xb8;
	[tilespmem:$0x39F0] =	vst v63  }
0x46: {  	s2 =	simm.s32 $0x980  }
0x47: {  	[tilespmem:s10], [sflag:$0x1] =	stream.indirect.gather [spmem:s3], $0x1, s2, s17, $0xb8;
	[tilespmem:$0x39F0] =	vst v63  }
0x48: {  	_ = 	snop  }
0x49: {  	[tilespmem:s14], [sflag:$0x1] =	stream.indirect.gather [spmem:s3], $0x1, s13, s17, $0xb8;
	[tilespmem:$0x39F0] =	vst v63  }
0x4a: {  	_ = 	snop  }
0x4b: {  	[tilespmem:s18], [sflag:$0x1] =	stream.indirect.gather [spmem:s3], $0x1, s15, s17, $0xb8;
	[tilespmem:$0x39F0] =	vst v63  }
0x4c: {  	_ = 	snop  }
0x4d: {  	[tilespmem:s20], [sflag:$0x1] =	stream.indirect.gather [spmem:s3], $0x1, s19, s17, $0xb8;
	[tilespmem:$0x39F0] =	vst v63  }
0x4e: {  	_ = 	snop  }
0x4f: {  	[tilespmem:s22], [sflag:$0x1] =	stream.indirect.gather [spmem:s3], $0x1, s21, s17, $0xb8;
	[tilespmem:$0x39F0] =	vst v63  }
0x50: {  	_ = 	snop  }
0x51: {  	[tilespmem:s23], [sflag:$0x1] =	stream.indirect.gather [spmem:s3], $0x1, s11, s17, $0xb8;
	[tilespmem:$0x39F0] =	vst v63  }
0x52: {  	_ = 	snop  }
0x53: {  	[tilespmem:s25], [sflag:$0x1] =	stream.indirect.gather [spmem:s3], $0x1, s24, s17, $0xb8;
	[tilespmem:$0x39F0] =	vst v63  }
0x54: {  	_ =	swait.ge [sflag:s26], $0x10  }
0x55: {  	[sflag:s26] =	ssyncset.done $0x0  }
0x56: {  	[sflag:s26] =	ssyncadd.s32 $0xFFFFFFF0  }
0x57: {  	_ =	swait.ge [sflag:s28], $0x80  }
0x58: {  	[sflag:s28] =	ssyncset.done $0x0  }
0x59: {  	[sflag:s28] =	ssyncadd.s32 $0xFFFFFF80  }
0x5a: {  	_ =	swait.ge [sflag:s28], $0x80  }
0x5b: {  	[sflag:s28] =	ssyncset.done $0x0  }
0x5c: {  	[sflag:s28] =	ssyncadd.s32 $0xFFFFFF80  }
0x5d: {  	_ =	swait.ge [sflag:s28], $0x80  }
0x5e: {  	[sflag:s28] =	ssyncset.done $0x0  }
0x5f: {  	[sflag:s28] =	ssyncadd.s32 $0xFFFFFF80  }
0x60: {  	_ =	swait.ge [sflag:s28], $0x80  }
0x61: {  	[sflag:s28] =	ssyncset.done $0x0  }
0x62: {  	[sflag:s28] =	ssyncadd.s32 $0xFFFFFF80  }
0x63: {  	_ =	swait.ge [sflag:s28], $0x80  }
0x64: {  	[sflag:s28] =	ssyncset.done $0x0  }
0x65: {  	[sflag:s28] =	ssyncadd.s32 $0xFFFFFF80  }
0x66: {  	_ =	swait.ge [sflag:s28], $0x80  }
0x67: {  	[sflag:s28] =	ssyncset.done $0x0  }
0x68: {  	[sflag:s28] =	ssyncadd.s32 $0xFFFFFF80  }
0x69: {  	_ =	swait.ge [sflag:s28], $0x80  }
0x6a: {  	[sflag:s28] =	ssyncset.done $0x0  }
0x6b: {  	[sflag:s28] =	ssyncadd.s32 $0xFFFFFF80  }
0x6c: {  	_ =	swait.ge [sflag:s28], $0x80  }
0x6d: {  	[sflag:s28] =	ssyncset.done $0x0  }
0x6e: {  	[sflag:s28] =	ssyncadd.s32 $0xFFFFFF80  }
0x6f: {  	_ =	swait.ge [sflag:s28], $0x80  }
0x70: {  	[sflag:s28] =	ssyncset.done $0x0  }
0x71: {  	[sflag:s28] =	ssyncadd.s32 $0xFFFFFF80  }
0x72: {  	_ =	swait.ge [sflag:s28], $0x80  }
0x73: {  	[sflag:s28] =	ssyncset.done $0x0  }
0x74: {  	[sflag:s28] =	ssyncadd.s32 $0xFFFFFF80  }
0x75: {  	_ =	swait.ge [sflag:s28], $0x80  }
0x76: {  	[sflag:s28] =	ssyncset.done $0x0  }
0x77: {  	[sflag:s28] =	ssyncadd.s32 $0xFFFFFF80  }
0x78: {  	_ =	swait.ge [sflag:s28], $0x80  }
0x79: {  	[sflag:s28] =	ssyncset.done $0x0  }
0x7a: {  	[sflag:s28] =	ssyncadd.s32 $0xFFFFFF80  }
0x7b: {  	_ =	swait.ge [sflag:s28], $0x80  }
0x7c: {  	[sflag:s28] =	ssyncset.done $0x0  }
0x7d: {  	[sflag:s28] =	ssyncadd.s32 $0xFFFFFF80  }
0x7e: {  	_ =	swait.ge [sflag:s28], $0x80  }
0x7f: {  	[sflag:s28] =	ssyncset.done $0x0  }
0x80: {  	[sflag:s28] =	ssyncadd.s32 $0xFFFFFF80  }
0x81: {  	_ =	swait.ge [sflag:s28], $0x80  }
0x82: {  	[sflag:s28] =	ssyncset.done $0x0  }
0x83: {  	[sflag:s28] =	ssyncadd.s32 $0xFFFFFF80  }
0x84: {  	_ =	swait.ge [sflag:s28], $0x80  }
0x85: {  	[sflag:s28] =	ssyncset.done $0x0  }
0x86: {  	[sflag:s28] =	ssyncadd.s32 $0xFFFFFF80  }
0x87: {  	_ =	swait.ge [sflag:s28], $0x80  }
0x88: {  	[sflag:s28] =	ssyncset.done $0x0  }
0x89: {  	[sflag:s28] =	ssyncadd.s32 $0xFFFFFF80  }
0x8a: {  	_ =	swait.ge [sflag:s28], $0x80  }
0x8b: {  	[sflag:s28] =	ssyncset.done $0x0  }
0x8c: {  	[sflag:s28] =	ssyncadd.s32 $0xFFFFFF80  }
0x8d: {  	_ =	swait.ge [sflag:s28], $0x80  }
0x8e: {  	[sflag:s28] =	ssyncset.done $0x0  }
0x8f: {  	[sflag:s28] =	ssyncadd.s32 $0xFFFFFF80  }
0x90: {  	_ =	swait.ge [sflag:s28], $0x80  }
0x91: {  	[sflag:s28] =	ssyncset.done $0x0  }
0x92: {  	[sflag:s28] =	ssyncadd.s32 $0xFFFFFF80  }
0x93: {  	_ =	swait.ge [sflag:s28], $0x80  }
0x94: {  	[sflag:s28] =	ssyncset.done $0x0  }
0x95: {  	[sflag:s28] =	ssyncadd.s32 $0xFFFFFF80  }
0x96: {  	_ =	swait.ge [sflag:s28], $0x80  }
0x97: {  	[sflag:s28] =	ssyncset.done $0x0  }
0x98: {  	[sflag:s28] =	ssyncadd.s32 $0xFFFFFF80  }
0x99: {  	_ =	swait.ge [sflag:s28], $0x80  }
0x9a: {  	[sflag:s28] =	ssyncset.done $0x0  }
0x9b: {  	[sflag:s28] =	ssyncadd.s32 $0xFFFFFF80  }
0x9c: {  	_ =	swait.ge [sflag:s28], $0x80  }
0x9d: {  	[sflag:s28] =	ssyncset.done $0x0  }
0x9e: {  	[sflag:s28] =	ssyncadd.s32 $0xFFFFFF80  }
0x9f: {  	_ =	swait.ge [sflag:s28], $0x80  }
0xa0: {  	[sflag:s28] =	ssyncset.done $0x0  }
0xa1: {  	[sflag:s28] =	ssyncadd.s32 $0xFFFFFF80  }
0xa2: {  	_ =	swait.ge [sflag:s28], $0x80  }
0xa3: {  	[sflag:s28] =	ssyncset.done $0x0  }
0xa4: {  	[sflag:s28] =	ssyncadd.s32 $0xFFFFFF80  }
0xa5: {  	s0 =	simm.s32 $0x0;
	v1 =	vld [tilespmem:$0x2080]  }
0xa6: {  	v2 =	vld [tilespmem:s0+$0x1000];
	_ =	sdelay $0x1  }
0xa7: {  	v3 =	vld [tilespmem:s0+$0x1080];
	_ =	sdelay $0x1  }
0xa8: {  	v4 =	vld [tilespmem:s0+$0x1100]  }
0xa9: {  	v2 =	vadd.f32 v2, v1  }
0xaa: {  	v5 =	vld [tilespmem:s0+$0x1180]  }
0xab: {  	v2 =	vadd.f32 v3, v2  }
0xac: {  	v3 =	vld [tilespmem:s0+$0x1200]  }
0xad: {  	v2 =	vadd.f32 v4, v2  }
0xae: {  	v4 =	vld [tilespmem:s0+$0x1280]  }
0xaf: {  	v2 =	vadd.f32 v5, v2  }
0xb0: {  	v5 =	vld [tilespmem:s0+$0x1300]  }
0xb1: {  	v2 =	vadd.f32 v3, v2  }
0xb2: {  	v3 =	vld [tilespmem:s0+$0x1380]  }
0xb3: {  	v2 =	vadd.f32 v4, v2  }
0xb4: {  	v4 =	vld [tilespmem:s0+$0x1400]  }
0xb5: {  	v2 =	vadd.f32 v5, v2  }
0xb6: {  	v5 =	vld [tilespmem:s0+$0x1480]  }
0xb7: {  	v2 =	vadd.f32 v3, v2  }
0xb8: {  	v3 =	vld [tilespmem:s0+$0x1500]  }
0xb9: {  	v2 =	vadd.f32 v4, v2  }
0xba: {  	v4 =	vld [tilespmem:s0+$0x1580]  }
0xbb: {  	v2 =	vadd.f32 v5, v2  }
0xbc: {  	s31 =	simm.s32 $0x10;
	v5 =	vld [tilespmem:s0+$0x1600]  }
0xbd: {  	v6 =	vld [tilespmem:s31+$0x1000];
	v2 =	vadd.f32 v3, v2  }
0xbe: {  	v3 =	vld [tilespmem:s0+$0x1680]  }
0xbf: {  	v7 =	vld [tilespmem:s31+$0x1080];
	v2 =	vadd.f32 v4, v2  }
0xc0: {  	v4 =	vld [tilespmem:s0+$0x1700]  }
0xc1: {  	v8 =	vld [tilespmem:s31+$0x1100];
	v2 =	vadd.f32 v5, v2  }
0xc2: {  	v5 =	vld [tilespmem:s0+$0x1780]  }
0xc3: {  	v9 =	vld [tilespmem:s31+$0x1180];
	v6 =	vadd.f32 v6, v1;
	v2 =	vadd.f32 v3, v2  }
0xc4: {  	v3 =	vld [tilespmem:s0+$0x1800]  }
0xc5: {  	v6 =	vadd.f32 v7, v6;
	v7 =	vld [tilespmem:s31+$0x1200];
	v2 =	vadd.f32 v4, v2  }
0xc6: {  	v4 =	vld [tilespmem:s0+$0x1880]  }
0xc7: {  	v6 =	vadd.f32 v8, v6;
	v8 =	vld [tilespmem:s31+$0x1280];
	v2 =	vadd.f32 v5, v2  }
0xc8: {  	v5 =	vld [tilespmem:s0+$0x1900]  }
0xc9: {  	v6 =	vadd.f32 v9, v6;
	v9 =	vld [tilespmem:s31+$0x1300];
	v2 =	vadd.f32 v3, v2  }
0xca: {  	v3 =	vld [tilespmem:s0+$0x1980]  }
0xcb: {  	v6 =	vadd.f32 v7, v6;
	v7 =	vld [tilespmem:s31+$0x1380];
	v2 =	vadd.f32 v4, v2  }
0xcc: {  	v4 =	vld [tilespmem:s0+$0x1A00]  }
0xcd: {  	v6 =	vadd.f32 v8, v6;
	v8 =	vld [tilespmem:s31+$0x1400];
	v2 =	vadd.f32 v5, v2  }
0xce: {  	v5 =	vld [tilespmem:s0+$0x1A80]  }
0xcf: {  	v6 =	vadd.f32 v9, v6;
	v9 =	vld [tilespmem:s31+$0x1480];
	v2 =	vadd.f32 v3, v2  }
0xd0: {  	v3 =	vld [tilespmem:s0+$0x1B00]  }
0xd1: {  	v10 =	vld [tilespmem:s0+$0x1B80];
	v6 =	vadd.f32 v7, v6;
	v2 =	vadd.f32 v4, v2  }
0xd2: {  	v4 =	vld [tilespmem:s31+$0x1500]  }
0xd3: {  	v6 =	vadd.f32 v8, v6;
	v7 =	vadd.f32 v5, v2;
	v2 =	vld [tilespmem:s0+$0x1C00]  }
0xd4: {  	v5 =	vld [tilespmem:s31+$0x1580]  }
0xd5: {  	v8 =	vadd.f32 v9, v6;
	v6 =	vld [tilespmem:s31+$0x1600];
	v9 =	vadd.f32 v3, v7  }
0xd6: {  	v3 =	vld [tilespmem:s0+$0x1C80]  }
0xd7: {  	s1 =	simm.s32 $0x20;
	s2 =	simm.s32 $0xC0;
	v7 =	vadd.f32 v4, v8;
	v4 =	vld [tilespmem:s31+$0x1680];
	v8 =	vadd.f32 v10, v9  }
.LBB2_2:
0xd8: {  	p1 =	sne.s32 s2, $0x1C0;
	v9 =	vld [tilespmem:s1+$0x1000]  }
0xd9: {  	v5 =	vadd.f32 v5, v7;
	v7 =	vld [tilespmem:s31+$0x1700];
	v2 =	vadd.f32 v2, v8  }
0xda: {  	v8 =	vld [tilespmem:s1+$0x1080]  }
0xdb: {  	v5 =	vadd.f32 v6, v5;
	v6 =	vld [tilespmem:s31+$0x1780];
	v2 =	vadd.f32 v3, v2  }
0xdc: {  	v3 =	vld [tilespmem:s1+$0x1100]  }
0xdd: {  	v9 =	vadd.f32 v9, v1;
	v4 =	vadd.f32 v4, v5;
	v5 =	vld [tilespmem:s31+$0x1800];
	[tilespmem:s0+$0x2100] =	vst v2;
	s0 =	smov.u32 s31;
	s31 =	smov.u32 s1  }
0xde: {  	v2 =	vld [tilespmem:s31+$0x1180]  }
0xdf: {  	v8 =	vadd.f32 v8, v9;
	v4 =	vadd.f32 v7, v4;
	v7 =	vld [tilespmem:s0+$0x1880]  }
0xe0: {  	v9 =	vld [tilespmem:s31+$0x1200]  }
0xe1: {  	v3 =	vadd.f32 v3, v8;
	v4 =	vadd.f32 v6, v4;
	v6 =	vld [tilespmem:s0+$0x1900]  }
0xe2: {  	v8 =	vld [tilespmem:s31+$0x1280]  }
0xe3: {  	v2 =	vadd.f32 v2, v3;
	v3 =	vadd.f32 v5, v4;
	v4 =	vld [tilespmem:s0+$0x1980]  }
0xe4: {  	v5 =	vld [tilespmem:s31+$0x1300]  }
0xe5: {  	v2 =	vadd.f32 v9, v2;
	v3 =	vadd.f32 v7, v3;
	v7 =	vld [tilespmem:s0+$0x1A00]  }
0xe6: {  	v9 =	vld [tilespmem:s31+$0x1380]  }
0xe7: {  	v2 =	vadd.f32 v8, v2;
	v3 =	vadd.f32 v6, v3;
	v6 =	vld [tilespmem:s0+$0x1A80]  }
0xe8: {  	v8 =	vld [tilespmem:s31+$0x1400]  }
0xe9: {  	v2 =	vadd.f32 v5, v2;
	v3 =	vadd.f32 v4, v3;
	v4 =	vld [tilespmem:s0+$0x1B00]  }
0xea: {  	v10 =	vld [tilespmem:s31+$0x1480]  }
0xeb: {  	v2 =	vadd.f32 v9, v2;
	v3 =	vadd.f32 v7, v3;
	v9 =	vld [tilespmem:s0+$0x1B80]  }
0xec: {  	v7 =	vld [tilespmem:s31+$0x1500]  }
.Ltmp0:
0xed: {  	v8 =	vadd.f32 v8, v2;
	v3 =	vadd.f32 v6, v3;
	v2 =	vld [tilespmem:s0+$0x1C00];
	(pc) =	sbr.rel @p1 .LBB2_2-.Ltmp0, $4  }
0xee: {  	v5 =	vld [tilespmem:s31+$0x1580]  }
0xef: {  	v8 =	vadd.f32 v10, v8;
	v10 =	vadd.f32 v4, v3;
	v3 =	vld [tilespmem:s0+$0x1C80]  }
0xf0: {  	v6 =	vld [tilespmem:s31+$0x1600]  }
0xf1: {  	s1 =	sshra.s32 s2, $0x2;
	s2 =	sadd.s32 $0x40, s2;
	v7 =	vadd.f32 v7, v8;
	v4 =	vld [tilespmem:s31+$0x1680];
	v8 =	vadd.f32 v9, v10  }
0xf2: {  	v9 =	vld [tilespmem:s1+$0x1000]  }
0xf3: {  	v10 =	vld [tilespmem:s31+$0x1700];
	v2 =	vadd.f32 v2, v8  }
0xf4: {  	v46 =	vld [tilespmem:s1+$0x1080]  }
0xf5: {  	v11 =	vld [tilespmem:s31+$0x1780];
	v5 =	vadd.f32 v5, v7;
	v2 =	vadd.f32 v3, v2  }
0xf6: {  	v3 =	vld [tilespmem:s1+$0x1100]  }
0xf7: {  	v47 =	vld [tilespmem:s31+$0x1800];
	v5 =	vadd.f32 v6, v5;
	v1 =	vadd.f32 v9, v1;
	[tilespmem:s0+$0x2100] =	vst v2  }
0xf8: {  	v2 =	vld [tilespmem:s1+$0x1180]  }
0xf9: {  	v4 =	vadd.f32 v4, v5;
	v1 =	vadd.f32 v46, v1  }
0xfa: {  	v48 =	vld [tilespmem:s1+$0x1200]  }
0xfb: {  	v49 =	vld [tilespmem:s31+$0x1880];
	v4 =	vadd.f32 v10, v4;
	v1 =	vadd.f32 v3, v1  }
0xfc: {  	v3 =	vld [tilespmem:s1+$0x1280]  }
0xfd: {  	v50 =	vld [tilespmem:s31+$0x1900];
	v4 =	vadd.f32 v11, v4;
	v1 =	vadd.f32 v2, v1  }
0xfe: {  	v2 =	vld [tilespmem:s1+$0x1300]  }
0xff: {  	v51 =	vld [tilespmem:s31+$0x1980];
	v4 =	vadd.f32 v47, v4;
	v1 =	vadd.f32 v48, v1  }
0x100: {  	v52 =	vld [tilespmem:s1+$0x1380]  }
0x101: {  	v53 =	vld [tilespmem:s31+$0x1A00];
	v4 =	vadd.f32 v49, v4;
	v1 =	vadd.f32 v3, v1  }
0x102: {  	v3 =	vld [tilespmem:s1+$0x1400]  }
0x103: {  	v54 =	vld [tilespmem:s31+$0x1A80];
	v4 =	vadd.f32 v50, v4;
	v1 =	vadd.f32 v2, v1  }
0x104: {  	v2 =	vld [tilespmem:s1+$0x1480]  }
0x105: {  	v55 =	vld [tilespmem:s31+$0x1B00];
	v4 =	vadd.f32 v51, v4;
	v1 =	vadd.f32 v52, v1  }
0x106: {  	v56 =	vld [tilespmem:s1+$0x1500]  }
0x107: {  	v57 =	vld [tilespmem:s31+$0x1B80];
	v4 =	vadd.f32 v53, v4;
	v1 =	vadd.f32 v3, v1  }
0x108: {  	v3 =	vld [tilespmem:s1+$0x1580]  }
0x109: {  	v58 =	vld [tilespmem:s31+$0x1C00];
	v4 =	vadd.f32 v54, v4;
	v1 =	vadd.f32 v2, v1  }
0x10a: {  	v2 =	vld [tilespmem:s1+$0x1600]  }
0x10b: {  	v59 =	vld [tilespmem:s31+$0x1C80];
	v4 =	vadd.f32 v55, v4;
	v1 =	vadd.f32 v56, v1  }
0x10c: {  	v60 =	vld [tilespmem:s1+$0x1680]  }
0x10d: {  	v4 =	vadd.f32 v57, v4;
	v1 =	vadd.f32 v3, v1  }
0x10e: {  	v3 =	vld [tilespmem:s1+$0x1700]  }
0x10f: {  	v4 =	vadd.f32 v58, v4;
	v1 =	vadd.f32 v2, v1  }
0x110: {  	v2 =	vld [tilespmem:s1+$0x1780]  }
0x111: {  	v4 =	vadd.f32 v59, v4;
	v1 =	vadd.f32 v60, v1  }
0x112: {  	v61 =	vld [tilespmem:s1+$0x1800]  }
0x113: {  	[tilespmem:s31+$0x2100] =	vst v4;
	v1 =	vadd.f32 v3, v1  }
0x114: {  	v3 =	vld [tilespmem:s1+$0x1880]  }
0x115: {  	v1 =	vadd.f32 v2, v1  }
0x116: {  	v2 =	vld [tilespmem:s1+$0x1900]  }
0x117: {  	v1 =	vadd.f32 v61, v1  }
0x118: {  	v4 =	vld [tilespmem:s1+$0x1980]  }
0x119: {  	v1 =	vadd.f32 v3, v1  }
0x11a: {  	v3 =	vld [tilespmem:s1+$0x1A00]  }
0x11b: {  	v1 =	vadd.f32 v2, v1  }
0x11c: {  	v2 =	vld [tilespmem:s1+$0x1A80]  }
0x11d: {  	v1 =	vadd.f32 v4, v1  }
0x11e: {  	v62 =	vld [tilespmem:s1+$0x1B00]  }
0x11f: {  	v1 =	vadd.f32 v3, v1  }
0x120: {  	v3 =	vld [tilespmem:s1+$0x1B80]  }
0x121: {  	v1 =	vadd.f32 v2, v1  }
0x122: {  	v2 =	vld [tilespmem:s1+$0x1C00]  }
0x123: {  	v1 =	vadd.f32 v62, v1  }
0x124: {  	v63 =	vld [tilespmem:s1+$0x1C80]  }
0x125: {  	v1 =	vadd.f32 v3, v1;
	_ =	sdelay $0x1  }
0x126: {  	v1 =	vadd.f32 v2, v1;
	_ =	sdelay $0x1  }
0x127: {  	s30 =	sadd.s32 $0x1, s30;
	v1 =	vadd.f32 v63, v1  }
0x128: {  	p1 =	sne.s32 s30, s8  }
.Ltmp1:
0x129: {  	[tilespmem:s1+$0x2100] =	vst v1;
	(pc) =	sbr.rel @p1 .LBB2_1-.Ltmp1, $4  }
0x12a: {  	[hbm4b:s7+s4] =	stream.linear.scatter [tilespmem:s29], [sflag:$0x3], $0x80, $0x38;
	[tilespmem:$0x39F0] =	vst v63  }
0x12b: {  	_ =	swait.ge [sflag:s12], $0x80  }
0x12c: {  	[sflag:s12] =	ssyncset.done $0x0  }
0x12d: {  	[sflag:s12] =	ssyncadd.s32 $0xFFFFFF80  }
0x12e: {  	_ =	sfence.sel $0x180000  }
0x12f: {  	[bflag:$0x0] =	sbarrier.arrive $0xFFFF  }
0x130: {  	_ =	strace $0x90000047  }
0x131: {  	[bflag:$0x2] =	sbarrier.arrive $0xFFFF  }
0x132: {  	s0 =	rddreg [dreg:$0x5]  }
0x133: {  	s0 =	sadd.s32 @!p0 $0x100000, s0  }
0x134: {  	[sflag:s0] =	ssyncadd.tile.s32 @!p0 $0x1;
	_ =	shalt  }
.Lfunc_end2:
_tile_overlayer_lowered:
.L_overlay_start_2:
0x135: {  	(tag) =	ssettag $0x2  }
0x136: {  	s0 =	rddreg [dreg:$0x0];
	s2 =	stileid.u32  }
0x137: {  	s1 =	rddreg [dreg:$0x1];
	p0 =	sne.s32 s2, $0x0  }
0x138: {  	s3 =	rddreg [dreg:$0x2];
	[bflag:$0x3] =	sbarrier.arrive $0xFFFF;
	s2 =	simm.s32 @!p0 $0x1C03  }
0x139: {  	[timem:s3], [sflag:s2] =	dma.local @!p0 [hbm:s0], s1  }
0x13a: {  	s0 =	simm.s32 @!p0 $0x3  }
0x13b: {  	_ =	swait.ge @!p0 [sflag:s0], s1  }
0x13c: {  	s1 =	ssub.s32 @!p0 $0x0, s1;
	[sflag:s0] =	ssyncset.done @!p0 $0x0  }
0x13d: {  	[sflag:s0] =	ssyncadd.s32 @!p0 s1  }
0x13e: {  	[bflag:$0x3] =	sbarrier.arrive $0xFFFF  }
0x13f: {  	_ =	shalt  }

</sc_bundles>
